<compile_context>
chip_gen: v7x
topology: tpu7x:2x2x1
jax: 0.10.2.dev20260603
libtpu: 0.0.44.dev20260713+nightly
codegen_flags: <defaults>
</compile_context>

<pallas_src>
import functools

import jax
import jax.numpy as jnp
import numpy as np
from jax import lax
from jax.experimental import pallas as pl
from jax.experimental.pallas import tpu as pltpu
from jax.experimental.pallas import tpu_sc as plsc

N = 10000
D = 256
DH = 128
E = 160000
NC = 2
NS = 16
EPS = E // NS
K = 80
NCHUNK = EPS // K
SUB = 8
SW = 16
NR = N * SUB
RA = NR // NS
NPC = 10240
RC = NPC // NS
ZR = 200



def _proj_body(x_ref, w_ref, b_ref, o_ref):
    o_ref[...] = (
        jnp.dot(x_ref[...], w_ref[...], preferred_element_type=jnp.float32)
        + b_ref[...]
    )


def _project(x, W, b):
    brm = 1000
    return pl.pallas_call(
        _proj_body,
        grid=(N // brm, 2),
        in_specs=[
            pl.BlockSpec((brm, D), lambda i, c: (i, 0)),
            pl.BlockSpec((D, DH), lambda i, c: (0, c)),
            pl.BlockSpec((1, DH), lambda i, c: (0, c)),
        ],
        out_specs=pl.BlockSpec((brm, DH), lambda i, c: (c * (N // brm) + i, 0)),
        out_shape=jax.ShapeDtypeStruct((2 * N, DH), jnp.float32),
    )(x, W, b.reshape(1, D))




def _gather_body(hid_u, hid_i, srcA_u2i, srcA_i2u,
                 msg_u2i_out, msg_i2u_out, idx_v, rows, sem):
    c = lax.axis_index("c")
    s = lax.axis_index("s")

    def do_etype(hid_hbm, srcA, msg_out):
        @pl.loop(0, NCHUNK)
        def chunk(g):
            off = pl.multiple_of(c * E + s * EPS + g * K, 16)
            pltpu.sync_copy(srcA.at[pl.ds(off, K)], idx_v)
            pltpu.async_copy(hid_hbm.at[idx_v], rows, sem).wait()
            pltpu.sync_copy(rows, msg_out.at[pl.ds(off, K)])

    do_etype(hid_u, srcA_u2i, msg_u2i_out)
    do_etype(hid_i, srcA_i2u, msg_i2u_out)


@functools.partial(jax.jit, static_argnums=())
def _gather_msgs(hid_u, hid_i, srcA_u2i, srcA_i2u):
    mesh = plsc.VectorSubcoreMesh(core_axis_name="c", subcore_axis_name="s")
    f = pl.kernel(
        _gather_body,
        out_type=[
            jax.ShapeDtypeStruct((2 * E, DH), jnp.float32),
            jax.ShapeDtypeStruct((2 * E, DH), jnp.float32),
        ],
        mesh=mesh,
        scratch_types=[
            pltpu.VMEM((K,), jnp.int32),
            pltpu.VMEM((K, DH), jnp.float32),
            pltpu.SemaphoreType.DMA,
        ],
    )
    return f(hid_u, hid_i, srcA_u2i, srcA_i2u)




def _scatter_body(msgT_u2i, msgT_i2u, dst_u2i, dst_i2u, zeros_z,
                  s_item_out, s_user_out, idx_dst, msgbuf, zbuf, acc):
    c = lax.axis_index("c")
    s = lax.axis_index("s")
    base = s * RC

    pltpu.sync_copy(zeros_z, zbuf)

    def do_pass(msgT, dst_hbm, p, s_out):
        for q in range(RC // K):
            pltpu.sync_copy(zbuf, acc.at[pl.ds(base + q * K, K)])
        plsc.subcore_barrier()

        def cloop(g, carry):
            eoff = pl.multiple_of(s * EPS + g * K, 16)
            pltpu.sync_copy(dst_hbm.at[pl.ds(eoff, K)], idx_dst)
            pltpu.sync_copy(msgT.at[p].at[pl.ds(c * E + eoff, K)], msgbuf)
            pltpu.sync_copy(msgbuf, acc.at[idx_dst], add=True)
            return carry

        lax.fori_loop(0, NCHUNK, cloop, 0)
        plsc.subcore_barrier()

        for q in range(RC // K):
            r = base + q * K
            pltpu.sync_copy(acc.at[pl.ds(r, K)], msgbuf)
            pltpu.sync_copy(msgbuf,
                            s_out.at[pl.ds((c * SUB + p) * NPC + r, K)])
        plsc.subcore_barrier()

    for p in range(SUB):
        do_pass(msgT_u2i, dst_u2i, p, s_item_out)
    for p in range(SUB):
        do_pass(msgT_i2u, dst_i2u, p, s_user_out)


@functools.partial(jax.jit, static_argnums=())
def _scatter_msgs(msgT_u2i, msgT_i2u, dst_u2i, dst_i2u, zeros_z):
    mesh = plsc.VectorSubcoreMesh(core_axis_name="c", subcore_axis_name="s")
    f = pl.kernel(
        _scatter_body,
        out_type=[
            jax.ShapeDtypeStruct((2 * SUB * NPC, SW), jnp.float32),
            jax.ShapeDtypeStruct((2 * SUB * NPC, SW), jnp.float32),
        ],
        mesh=mesh,
        scratch_types=[
            pltpu.VMEM((K,), jnp.int32),
            pltpu.VMEM((K, SW), jnp.float32),
            pltpu.VMEM((K, SW), jnp.float32),
            pltpu.VMEM_SHARED((NPC, SW), jnp.float32),
        ],
    )
    return f(msgT_u2i, msgT_i2u, dst_u2i, dst_i2u, zeros_z)




def _count_body(dst_u2i, dst_i2u, count_src, zeros_cnt,
                cnt_item_out, cnt_user_out, idx_dst, csrc, stage_cnt, cntacc):
    c = lax.axis_index("c")
    s = lax.axis_index("s")
    base_cnt = s * RC

    pltpu.sync_copy(count_src, csrc)
    pltpu.sync_copy(zeros_cnt, stage_cnt)

    def do_etype(dst_hbm, cnt_out):
        for q in range(RC // K):
            pltpu.sync_copy(stage_cnt, cntacc.at[pl.ds(base_cnt + q * K, K)])
        plsc.subcore_barrier()

        def cloop(g, carry):
            eoff = pl.multiple_of(s * EPS + g * K, 16)
            pltpu.sync_copy(dst_hbm.at[pl.ds(eoff, K)], idx_dst)
            pltpu.sync_copy(csrc, cntacc.at[idx_dst], add=True)
            return carry

        lax.fori_loop(0, NCHUNK, cloop, 0)
        plsc.subcore_barrier()
        for q in range(RC // K):
            r = base_cnt + q * K
            pltpu.sync_copy(cntacc.at[pl.ds(r, K)], stage_cnt)
            pltpu.sync_copy(stage_cnt, cnt_out.at[pl.ds(c * NPC + r, K)])
        plsc.subcore_barrier()
        pltpu.sync_copy(zeros_cnt, stage_cnt)

    do_etype(dst_u2i, cnt_item_out)
    do_etype(dst_i2u, cnt_user_out)


@functools.partial(jax.jit, static_argnums=())
def _count_msgs(dst_u2i, dst_i2u, count_src, zeros_cnt):
    mesh = plsc.VectorSubcoreMesh(core_axis_name="c", subcore_axis_name="s")
    f = pl.kernel(
        _count_body,
        out_type=[
            jax.ShapeDtypeStruct((2 * NPC, SW), jnp.float32),
            jax.ShapeDtypeStruct((2 * NPC, SW), jnp.float32),
        ],
        mesh=mesh,
        scratch_types=[
            pltpu.VMEM((K,), jnp.int32),
            pltpu.VMEM((K, SW), jnp.float32),
            pltpu.VMEM((K, SW), jnp.float32),
            pltpu.VMEM_SHARED((NPC, SW), jnp.float32),
        ],
    )
    return f(dst_u2i, dst_i2u, count_src, zeros_cnt)




def _finish_body(s_ref, cnt_ref, hid_ref, o_ref):
    cnt = cnt_ref[...][:, 0:1]
    o_ref[...] = hid_ref[...] + s_ref[...] / jnp.maximum(cnt, 1.0)


def _finish(s_s, cnt_n, hid_s):
    brf = 1000
    return pl.pallas_call(
        _finish_body,
        grid=(N // brf, 2),
        in_specs=[
            pl.BlockSpec((brf, DH), lambda i, c: (i, c)),
            pl.BlockSpec((brf, SW), lambda i, c: (i, 0)),
            pl.BlockSpec((brf, DH), lambda i, c: (c * (N // brf) + i, 0)),
        ],
        out_specs=pl.BlockSpec((brf, DH), lambda i, c: (i, c)),
        out_shape=jax.ShapeDtypeStruct((N, D), jnp.float32),
    )(s_s, cnt_n, hid_s)




def kernel(x_user, x_item, W_user, b_user, W_item, b_item,
           edge_index_u2i, edge_index_i2u):
    hid_user_s = _project(x_user.astype(jnp.float32), W_user, b_user)
    hid_item_s = _project(x_item.astype(jnp.float32), W_item, b_item)

    e_u2i = edge_index_u2i.astype(jnp.int32)
    e_i2u = edge_index_i2u.astype(jnp.int32)

    srcA_u2i = jnp.concatenate([e_u2i[0], e_u2i[0] + N])
    srcA_i2u = jnp.concatenate([e_i2u[0], e_i2u[0] + N])

    count_np = np.zeros((K, SW), np.float32)
    count_np[:, 0] = 1.0
    count_src = jnp.asarray(count_np)
    zeros_z = jnp.asarray(np.zeros((K, SW), np.float32))
    zeros_cnt = jnp.asarray(np.zeros((K, SW), np.float32))

    msg_u2i, msg_i2u = _gather_msgs(hid_user_s, hid_item_s,
                                    srcA_u2i, srcA_i2u)

    msgT_u2i = msg_u2i.reshape(2 * E, SUB, SW).transpose(1, 0, 2)
    msgT_i2u = msg_i2u.reshape(2 * E, SUB, SW).transpose(1, 0, 2)

    s_item_r, s_user_r = _scatter_msgs(msgT_u2i, msgT_i2u,
                                       e_u2i[1], e_i2u[1], zeros_z)
    cnt_item_r, cnt_user_r = _count_msgs(e_u2i[1], e_i2u[1],
                                         count_src, zeros_cnt)

    s_item_m = (s_item_r.reshape(2 * SUB, NPC, SW)[:, :N]
                .transpose(1, 0, 2).reshape(N, D))
    s_user_m = (s_user_r.reshape(2 * SUB, NPC, SW)[:, :N]
                .transpose(1, 0, 2).reshape(N, D))

    out_user = _finish(s_user_m, cnt_user_r[:N], hid_user_s)
    out_item = _finish(s_item_m, cnt_item_r[:N], hid_item_s)
    return (out_user, out_item)

# --- scband reference (transcript-rebuilt; emitter-appended) ---
"""Pipeline reference for scband-hetero-gcnlayer-84705345011826 (READ-ONLY COPY).

The authoritative reference and input builder live on the scoring server;
editing this copy changes nothing except your own understanding.
"""

import jax, jax.numpy as jnp
import numpy as np

N_USER = 10000
N_ITEM = 10000
D_IN = 256
D_OUT = 256
E = 160000


def setup_inputs(seed: int = 0) -> dict:
    key = jax.random.key(seed)
    ks = jax.random.split(key, 10)
    x_user = jax.random.normal(ks[0], (N_USER, D_IN), dtype=jnp.float32)
    x_item = jax.random.normal(ks[1], (N_ITEM, D_IN), dtype=jnp.float32)
    edge_index_u2i = jnp.stack([
        jax.random.randint(ks[2], (E,), 0, N_USER),
        jax.random.randint(ks[3], (E,), 0, N_ITEM),
    ], axis=0)
    edge_index_i2u = jnp.stack([
        jax.random.randint(ks[4], (E,), 0, N_ITEM),
        jax.random.randint(ks[5], (E,), 0, N_USER),
    ], axis=0)
    scale_u = 1.0 / np.sqrt(D_IN)
    W_user = jax.random.normal(ks[6], (D_IN, D_OUT), dtype=jnp.float32) * scale_u
    b_user = jnp.zeros((D_OUT,), dtype=jnp.float32)
    W_item = jax.random.normal(ks[7], (D_IN, D_OUT), dtype=jnp.float32) * scale_u
    b_item = jnp.zeros((D_OUT,), dtype=jnp.float32)
    return {
        "x_user": x_user,
        "x_item": x_item,
        "W_user": W_user,
        "b_user": b_user,
        "W_item": W_item,
        "b_item": b_item,
        "edge_index_u2i": edge_index_u2i,
        "edge_index_i2u": edge_index_i2u,
    }


def _mean_agg(msg, dst, num_segments):
    s = jax.ops.segment_sum(msg, dst, num_segments=num_segments)
    cnt = jax.ops.segment_sum(jnp.ones((msg.shape[0],), msg.dtype), dst, num_segments=num_segments)
    return s / jnp.maximum(cnt, 1.0)[:, None]


def reference(x_user, x_item, W_user, b_user, W_item, b_item, edge_index_u2i, edge_index_i2u):
    # per-ntype linear projection (G.nodes[ntype].data['hid'])
    hid_user = x_user.astype(jnp.float32) @ W_user + b_user
    hid_item = x_item.astype(jnp.float32) @ W_item + b_item
    # multi_update_all: copy_u('hid','m'), mean('m','h') per etype, 'sum' across etypes
    # etype user->item: messages gathered from user src, mean-reduced onto item dst
    h_item = _mean_agg(hid_user[edge_index_u2i[0]], edge_index_u2i[1], N_ITEM)
    # etype item->user
    h_user = _mean_agg(hid_item[edge_index_i2u[0]], edge_index_i2u[1], N_USER)
    # residual: h + hid per ntype
    return (h_user + hid_user, h_item + hid_item)

if __name__ == "__main__":
    import jax
    _d = setup_inputs()
    print(jax.jit(kernel)(*tuple(_d.values())))

</pallas_src>

<mosaic_0001>
#map = affine_map<(d0, d1) -> (0, 0)>
#map1 = affine_map<(d0, d1) -> (0)>
module attributes {stable_mosaic.version = 14 : i64} {
  func.func @_gather_body(%arg0: i32, %arg1: i32, %arg2: memref<20000x128xf32, #tpu.memory_space<hbm>>, %arg3: memref<20000x128xf32, #tpu.memory_space<hbm>>, %arg4: memref<320000xi32, #tpu.memory_space<hbm>>, %arg5: memref<320000xi32, #tpu.memory_space<hbm>>, %arg6: memref<320000x128xf32, #tpu.memory_space<hbm>>, %arg7: memref<320000x128xf32, #tpu.memory_space<hbm>>, %arg8: memref<80xi32, #tpu.memory_space<vmem>>, %arg9: memref<80x128xf32, #tpu.memory_space<vmem>>, %arg10: memref<!tpu.dma_semaphore, #tpu.memory_space<semaphore_mem>>) attributes {dimension_semantics = [#tpu.dimension_semantics<core_parallel>, #tpu.dimension_semantics<subcore_parallel>], iteration_bounds = array<i64: 2, 16>, scalar_prefetch = 0 : i64, scratch_operands = 3 : i64, tpu.core_type = #tpu.core_type<sc_vector_subcore>, window_params = [{transform_indices = #map}, {transform_indices = #map}, {transform_indices = #map1}, {transform_indices = #map1}, {transform_indices = #map}, {transform_indices = #map}]} {
    %scan3A = arith.constant 0 : i32
    %scan3A_0 = arith.constant 125 : i32
    %scan3A_1 = arith.addi %scan3A, %scan3A_0 : i32
    %scan3A_2 = arith.constant 1 : i32
    scf.for %scan3A_9 = %scan3A to %scan3A_1 step %scan3A_2  : i32 {
      %mul3A = arith.constant 1 : i32
      %mul3A_10 = arith.muli %scan3A_9, %mul3A : i32
      %add3A = arith.constant 0 : i32
      %add3A_11 = arith.addi %add3A, %mul3A_10 : i32
      %mul3A_12 = arith.constant 160000 : i32
      %mul3A_13 = arith.muli %arg0, %mul3A_12 : i32
      %mul3A_14 = arith.constant 10000 : i32
      %mul3A_15 = arith.muli %arg1, %mul3A_14 : i32
      %add3A_16 = arith.addi %mul3A_13, %mul3A_15 : i32
      %mul3A_17 = arith.constant 80 : i32
      %mul3A_18 = arith.muli %add3A_11, %mul3A_17 : i32
      %add3A_19 = arith.addi %add3A_16, %mul3A_18 : i32
      %multiple_of3A = tpu.assume_multiple %add3A_19, 16 : i32
      "tpu.region"() ({
        %run_scoped3A = tpu.sem_alloc : memref<!tpu.dma_semaphore, #tpu.memory_space<semaphore_mem>>
        %dma_start3A_24 = tpu.memref_slice %arg4[%multiple_of3A] : memref<320000xi32, #tpu.memory_space<hbm>> -> memref<80xi32, #tpu.memory_space<hbm>>
        %dma_start3A_25 = tpu.memref_slice %arg4[%multiple_of3A] : memref<320000xi32, #tpu.memory_space<hbm>> -> memref<80xi32, #tpu.memory_space<hbm>>
        tpu.enqueue_dma source(%dma_start3A_25 : memref<80xi32, #tpu.memory_space<hbm>>) target(%arg8 : memref<80xi32, #tpu.memory_space<vmem>>) target_semaphore(%run_scoped3A : memref<!tpu.dma_semaphore, #tpu.memory_space<semaphore_mem>>)
        %dma_wait3A_26 = tpu.memref_slice %arg4[%multiple_of3A] : memref<320000xi32, #tpu.memory_space<hbm>> -> memref<80xi32, #tpu.memory_space<hbm>>
        %dma_wait3A_27 = tpu.memref_slice %arg4[%multiple_of3A] : memref<320000xi32, #tpu.memory_space<hbm>> -> memref<80xi32, #tpu.memory_space<hbm>>
        tpu.wait_dma2 semaphore(%run_scoped3A : memref<!tpu.dma_semaphore, #tpu.memory_space<semaphore_mem>>) src(%dma_wait3A_27 : memref<80xi32, #tpu.memory_space<hbm>>) dst(%arg8 : memref<80xi32, #tpu.memory_space<vmem>>)
        tpu.yield
      }) : () -> ()
      %dma_start3A = arith.constant 0 : i32
      %dma_start3A_20 = arith.constant 0 : i32
      %dma_start3A_21 = tpu.memref_slice %arg2[%dma_start3A, %dma_start3A_20] : memref<20000x128xf32, #tpu.memory_space<hbm>> -> memref<20000x128xf32, #tpu.memory_space<hbm>>
      tpu.enqueue_indirect_dma source(%dma_start3A_21 : memref<20000x128xf32, #tpu.memory_space<hbm>>) target(%arg9 : memref<80x128xf32, #tpu.memory_space<vmem>>) offsets(%arg8 : memref<80xi32, #tpu.memory_space<vmem>>) semaphore(%arg10 : memref<!tpu.dma_semaphore, #tpu.memory_space<semaphore_mem>>)
      %dma_wait3A = arith.constant 0 : i32
      %dma_wait3A_22 = arith.constant 0 : i32
      %dma_wait3A_23 = tpu.memref_slice %arg2[%dma_wait3A, %dma_wait3A_22] : memref<20000x128xf32, #tpu.memory_space<hbm>> -> memref<20000x128xf32, #tpu.memory_space<hbm>>
      tpu.wait_indirect_dma semaphore(%arg10 : memref<!tpu.dma_semaphore, #tpu.memory_space<semaphore_mem>>) src(%dma_wait3A_23 : memref<20000x128xf32, #tpu.memory_space<hbm>>) dst(%arg9 : memref<80x128xf32, #tpu.memory_space<vmem>>)
      "tpu.region"() ({
        %run_scoped3A = tpu.sem_alloc : memref<!tpu.dma_semaphore, #tpu.memory_space<semaphore_mem>>
        %dma_start3A_24 = arith.constant 0 : i32
        %dma_start3A_25 = tpu.memref_slice %arg6[%multiple_of3A, %dma_start3A_24] : memref<320000x128xf32, #tpu.memory_space<hbm>> -> memref<80x128xf32, #tpu.memory_space<hbm>>
        %dma_start3A_26 = arith.constant 0 : i32
        %dma_start3A_27 = tpu.memref_slice %arg6[%multiple_of3A, %dma_start3A_26] : memref<320000x128xf32, #tpu.memory_space<hbm>> -> memref<80x128xf32, #tpu.memory_space<hbm>>
        tpu.enqueue_dma source(%arg9 : memref<80x128xf32, #tpu.memory_space<vmem>>) target(%dma_start3A_27 : memref<80x128xf32, #tpu.memory_space<hbm>>) target_semaphore(%run_scoped3A : memref<!tpu.dma_semaphore, #tpu.memory_space<semaphore_mem>>)
        %dma_wait3A_28 = arith.constant 0 : i32
        %dma_wait3A_29 = tpu.memref_slice %arg6[%multiple_of3A, %dma_wait3A_28] : memref<320000x128xf32, #tpu.memory_space<hbm>> -> memref<80x128xf32, #tpu.memory_space<hbm>>
        %dma_wait3A_30 = arith.constant 0 : i32
        %dma_wait3A_31 = tpu.memref_slice %arg6[%multiple_of3A, %dma_wait3A_30] : memref<320000x128xf32, #tpu.memory_space<hbm>> -> memref<80x128xf32, #tpu.memory_space<hbm>>
        tpu.wait_dma2 semaphore(%run_scoped3A : memref<!tpu.dma_semaphore, #tpu.memory_space<semaphore_mem>>) src(%arg9 : memref<80x128xf32, #tpu.memory_space<vmem>>) dst(%dma_wait3A_31 : memref<80x128xf32, #tpu.memory_space<hbm>>)
        tpu.yield
      }) : () -> ()
    }
    %scan3A_3 = arith.constant 125 : i32
    %scan3A_4 = arith.constant 0 : i32
    %scan3A_5 = arith.constant 125 : i32
    %scan3A_6 = arith.addi %scan3A_4, %scan3A_5 : i32
    %scan3A_7 = arith.constant 1 : i32
    scf.for %scan3A_9 = %scan3A_4 to %scan3A_6 step %scan3A_7  : i32 {
      %mul3A = arith.constant 1 : i32
      %mul3A_10 = arith.muli %scan3A_9, %mul3A : i32
      %add3A = arith.constant 0 : i32
      %add3A_11 = arith.addi %add3A, %mul3A_10 : i32
      %mul3A_12 = arith.constant 160000 : i32
      %mul3A_13 = arith.muli %arg0, %mul3A_12 : i32
      %mul3A_14 = arith.constant 10000 : i32
      %mul3A_15 = arith.muli %arg1, %mul3A_14 : i32
      %add3A_16 = arith.addi %mul3A_13, %mul3A_15 : i32
      %mul3A_17 = arith.constant 80 : i32
      %mul3A_18 = arith.muli %add3A_11, %mul3A_17 : i32
      %add3A_19 = arith.addi %add3A_16, %mul3A_18 : i32
      %multiple_of3A = tpu.assume_multiple %add3A_19, 16 : i32
      "tpu.region"() ({
        %run_scoped3A = tpu.sem_alloc : memref<!tpu.dma_semaphore, #tpu.memory_space<semaphore_mem>>
        %dma_start3A_24 = tpu.memref_slice %arg5[%multiple_of3A] : memref<320000xi32, #tpu.memory_space<hbm>> -> memref<80xi32, #tpu.memory_space<hbm>>
        %dma_start3A_25 = tpu.memref_slice %arg5[%multiple_of3A] : memref<320000xi32, #tpu.memory_space<hbm>> -> memref<80xi32, #tpu.memory_space<hbm>>
        tpu.enqueue_dma source(%dma_start3A_25 : memref<80xi32, #tpu.memory_space<hbm>>) target(%arg8 : memref<80xi32, #tpu.memory_space<vmem>>) target_semaphore(%run_scoped3A : memref<!tpu.dma_semaphore, #tpu.memory_space<semaphore_mem>>)
        %dma_wait3A_26 = tpu.memref_slice %arg5[%multiple_of3A] : memref<320000xi32, #tpu.memory_space<hbm>> -> memref<80xi32, #tpu.memory_space<hbm>>
        %dma_wait3A_27 = tpu.memref_slice %arg5[%multiple_of3A] : memref<320000xi32, #tpu.memory_space<hbm>> -> memref<80xi32, #tpu.memory_space<hbm>>
        tpu.wait_dma2 semaphore(%run_scoped3A : memref<!tpu.dma_semaphore, #tpu.memory_space<semaphore_mem>>) src(%dma_wait3A_27 : memref<80xi32, #tpu.memory_space<hbm>>) dst(%arg8 : memref<80xi32, #tpu.memory_space<vmem>>)
        tpu.yield
      }) : () -> ()
      %dma_start3A = arith.constant 0 : i32
      %dma_start3A_20 = arith.constant 0 : i32
      %dma_start3A_21 = tpu.memref_slice %arg3[%dma_start3A, %dma_start3A_20] : memref<20000x128xf32, #tpu.memory_space<hbm>> -> memref<20000x128xf32, #tpu.memory_space<hbm>>
      tpu.enqueue_indirect_dma source(%dma_start3A_21 : memref<20000x128xf32, #tpu.memory_space<hbm>>) target(%arg9 : memref<80x128xf32, #tpu.memory_space<vmem>>) offsets(%arg8 : memref<80xi32, #tpu.memory_space<vmem>>) semaphore(%arg10 : memref<!tpu.dma_semaphore, #tpu.memory_space<semaphore_mem>>)
      %dma_wait3A = arith.constant 0 : i32
      %dma_wait3A_22 = arith.constant 0 : i32
      %dma_wait3A_23 = tpu.memref_slice %arg3[%dma_wait3A, %dma_wait3A_22] : memref<20000x128xf32, #tpu.memory_space<hbm>> -> memref<20000x128xf32, #tpu.memory_space<hbm>>
      tpu.wait_indirect_dma semaphore(%arg10 : memref<!tpu.dma_semaphore, #tpu.memory_space<semaphore_mem>>) src(%dma_wait3A_23 : memref<20000x128xf32, #tpu.memory_space<hbm>>) dst(%arg9 : memref<80x128xf32, #tpu.memory_space<vmem>>)
      "tpu.region"() ({
        %run_scoped3A = tpu.sem_alloc : memref<!tpu.dma_semaphore, #tpu.memory_space<semaphore_mem>>
        %dma_start3A_24 = arith.constant 0 : i32
        %dma_start3A_25 = tpu.memref_slice %arg7[%multiple_of3A, %dma_start3A_24] : memref<320000x128xf32, #tpu.memory_space<hbm>> -> memref<80x128xf32, #tpu.memory_space<hbm>>
        %dma_start3A_26 = arith.constant 0 : i32
        %dma_start3A_27 = tpu.memref_slice %arg7[%multiple_of3A, %dma_start3A_26] : memref<320000x128xf32, #tpu.memory_space<hbm>> -> memref<80x128xf32, #tpu.memory_space<hbm>>
        tpu.enqueue_dma source(%arg9 : memref<80x128xf32, #tpu.memory_space<vmem>>) target(%dma_start3A_27 : memref<80x128xf32, #tpu.memory_space<hbm>>) target_semaphore(%run_scoped3A : memref<!tpu.dma_semaphore, #tpu.memory_space<semaphore_mem>>)
        %dma_wait3A_28 = arith.constant 0 : i32
        %dma_wait3A_29 = tpu.memref_slice %arg7[%multiple_of3A, %dma_wait3A_28] : memref<320000x128xf32, #tpu.memory_space<hbm>> -> memref<80x128xf32, #tpu.memory_space<hbm>>
        %dma_wait3A_30 = arith.constant 0 : i32
        %dma_wait3A_31 = tpu.memref_slice %arg7[%multiple_of3A, %dma_wait3A_30] : memref<320000x128xf32, #tpu.memory_space<hbm>> -> memref<80x128xf32, #tpu.memory_space<hbm>>
        tpu.wait_dma2 semaphore(%run_scoped3A : memref<!tpu.dma_semaphore, #tpu.memory_space<semaphore_mem>>) src(%arg9 : memref<80x128xf32, #tpu.memory_space<vmem>>) dst(%dma_wait3A_31 : memref<80x128xf32, #tpu.memory_space<hbm>>)
        tpu.yield
      }) : () -> ()
    }
    %scan3A_8 = arith.constant 125 : i32
    return
  }
}

</mosaic_0001>

<sc_bundles>
// kernel: _gather_msgs.3.cloned.1.call-start
scs
__scs_entry_jumppad:
0x0: {  	(pc) =	sbr.rel $0x88, $3  }
0x1: {  	(tag) =	ssettag $0x0;
	lr =	simm.s32 $0x1  }
0x2: {  	[smem:$0x3F9D] =	sst lr;
	_ =	strace $0xD0000000  }
0x3: {  	_ = 	snop  }
0x4: {  	_ = 	snop  }
0x5: {  	_ = 	snop  }
0x6: {  	_ = 	snop  }
0x7: {  	_ = 	snop  }
__scs_overlays_trampoline_lowered:
0x8: {  	[smem:$0x3FAC] =	sst s0  }
0x9: {  	[smem:$0x3FAD] =	sst s1  }
0xa: {  	[smem:$0x3FAE] =	sst s2  }
0xb: {  	[smem:$0x3FAF] =	sst s3  }
0xc: {  	[smem:$0x3FB0] =	sst s4  }
0xd: {  	[smem:$0x3FB1] =	sst s5  }
0xe: {  	[smem:$0x3FB2] =	sst s6  }
0xf: {  	[smem:$0x3FB3] =	sst s7  }
0x10: {  	[smem:$0x3FB4] =	sst s8  }
0x11: {  	[smem:$0x3FB5] =	sst s9;
	s0 =	simm.s32 @!p0 $0x0  }
0x12: {  	s1 =	sld [smem:$0x3F9B];
	s0 =	simm.s32 @p0 $0x1  }
0x13: {  	[smem:$0x3FB6] =	sst s0;
	s0 =	simm.s32 @!p1 $0x0  }
0x14: {  	s2 =	sld [smem:$0x3F9A];
	s0 =	simm.s32 @p1 $0x1  }
0x15: {  	[smem:$0x3FB7] =	sst s0;
	s0 =	simm.s32 @!p2 $0x0  }
0x16: {  	s3 =	sld [smem:$0x3FDB];
	s0 =	simm.s32 @p2 $0x1  }
0x17: {  	s4 =	simm.s32 $0x1BF5;
	[smem:$0x3FB9] =	sst s0  }
0x18: {  	s0 =	sld [smem:$0x3F9C];
	_ =	swait.ge [sflag:s4], $0x0  }
0x19: {  	s7 =	sld [smem:$0x3F9D]  }
0x1a: {  	s8 =	sadd.s32 $0xFFFFE003, lr  }
0x1b: {  	s9 =	sadd.s32 $0xFFFFFEF7, lr;
	s5 =	simm.s32 $0xFFFFFFFF;
	p2 =	slt.u32 s8, $0xFFFFF086  }
0x1c: {  	p1 =	slt.u32 s9, $0xF7A;
	s5 =	simm.s32 @!p2 $0x0  }
0x1d: {  	s5 =	simm.s32 @p1 $0x1;
	p0 =	seq.s32 s7, s2  }
0x1e: {  	s7 =	smul.u32 @!p0 $0xF7A, s2;
	p2 =	seq.s32 @!p0 s5, $0x0  }
0x1f: {  	s9 =	smul.u32 $0xF7A, s1;
	s8 =	simm.s32 @!p0 $0x1BF5;
	p2 =	por !p2, p0  }
0x20: {  	[sflag:s8] =	ssyncset.s32 @!p0 $0xFFFFF086;
	s6 =	sadd.s32 @!p0 s3, s7;
	s7 =	simm.s32 @!p0 $0x108  }
0x21: {  	s3 =	sadd.s32 s3, s9;
	s6 =	sadd.s32 @!p0 $0x88, s6;
	s7 =	simm.s32 @p2 $0x1082  }
0x22: {  	[simem:s7], [sflag:s8] =	dma.local @!p0 [hbm:s6], $0xF7A  }
0x23: {  	s9 =	sor.u32 $0xD0000000, s2;
	s6 =	simm.s32 $0x108;
	_ =	swait.ge @!p0 [sflag:s8], $0x0  }
0x24: {  	s3 =	sadd.s32 $0x88, s3;
	s6 =	simm.s32 @!p1 $0x1082;
	[sflag:s4] =	ssyncset.s32 $0xFFFFF086  }
0x25: {  	[simem:s6], [sflag:s4] =	dma.local [hbm:s3], $0xF7A  }
0x26: {  	[smem:$0x3F9D] =	sst s1;
	(tag) =	ssettag s2;
	_ =	strace s9  }
0x27: {  	s1 =	sld [smem:$0x3FAD]  }
0x28: {  	s2 =	sld [smem:$0x3FAE]  }
0x29: {  	s4 =	sld [smem:$0x3FB0]  }
0x2a: {  	p0 =	seq.s32 s5, $0x0;
	s5 =	sld [smem:$0x3FB1]  }
0x2b: {  	s6 =	sld [smem:$0x3FB2]  }
0x2c: {  	s7 =	sld [smem:$0x3FB3]  }
0x2d: {  	s3 =	simm.s32 $0x108;
	s8 =	sld [smem:$0x3FB4]  }
0x2e: {  	s3 =	simm.s32 @!p0 $0x1082;
	s9 =	sld [smem:$0x3FB5]  }
0x2f: {  	lr =	sadd.s32 s0, s3;
	s0 =	sld [smem:$0x3FAC]  }
0x30: {  	s3 =	sld [smem:$0x3FAF]  }
0x31: {  	[smem:$0x3FB8] =	sst s10  }
0x32: {  	s10 =	sld [smem:$0x3FB6];
	_ =	sdelay $0x3  }
0x33: {  	p0 =	seq.s32 s10, $0x1;
	s10 =	sld [smem:$0x3FB8];
	_ =	sdelay $0x3  }
0x34: {  	[smem:$0x3FB8] =	sst s10  }
0x35: {  	s10 =	sld [smem:$0x3FB7];
	_ =	sdelay $0x3  }
0x36: {  	p1 =	seq.s32 s10, $0x1;
	s10 =	sld [smem:$0x3FB8];
	_ =	sdelay $0x3  }
0x37: {  	[smem:$0x3FB8] =	sst s10  }
0x38: {  	s10 =	sld [smem:$0x3FB9]  }
0x39: {  	_ = 	snop;
	(pc) =	sbr.ind lr, $3  }
0x3a: {  	_ = 	snop  }
0x3b: {  	_ = 	snop  }
0x3c: {  	p2 =	seq.s32 s10, $0x1;
	s10 =	sld [smem:$0x3FB8]  }
0x3d: {  	_ =	shalt  }
0x3e: {  	_ =	shalt  }
0x3f: {  	_ =	shalt  }
0x40: {  	_ =	shalt  }
0x41: {  	_ =	shalt  }
0x42: {  	_ =	shalt  }
0x43: {  	_ =	shalt  }
0x44: {  	_ =	shalt  }
0x45: {  	_ =	shalt  }
0x46: {  	_ =	shalt  }
0x47: {  	_ =	shalt  }
0x48: {  	_ =	shalt  }
0x49: {  	_ =	shalt  }
0x4a: {  	_ =	shalt  }
0x4b: {  	_ =	shalt  }
0x4c: {  	_ =	shalt  }
0x4d: {  	_ =	shalt  }
0x4e: {  	_ =	shalt  }
0x4f: {  	_ =	shalt  }
0x50: {  	_ =	shalt  }
0x51: {  	_ =	shalt  }
0x52: {  	_ =	shalt  }
0x53: {  	_ =	shalt  }
0x54: {  	_ =	shalt  }
0x55: {  	_ =	shalt  }
0x56: {  	_ =	shalt  }
0x57: {  	_ =	shalt  }
0x58: {  	_ =	shalt  }
0x59: {  	_ =	shalt  }
0x5a: {  	_ =	shalt  }
0x5b: {  	_ =	shalt  }
0x5c: {  	_ =	shalt  }
0x5d: {  	_ =	shalt  }
0x5e: {  	_ =	shalt  }
0x5f: {  	_ =	shalt  }
0x60: {  	_ =	shalt  }
0x61: {  	_ =	shalt  }
0x62: {  	_ =	shalt  }
0x63: {  	_ =	shalt  }
0x64: {  	_ =	shalt  }
0x65: {  	_ =	shalt  }
0x66: {  	_ =	shalt  }
0x67: {  	_ =	shalt  }
0x68: {  	_ =	shalt  }
0x69: {  	_ =	shalt  }
0x6a: {  	_ =	shalt  }
0x6b: {  	_ =	shalt  }
0x6c: {  	_ =	shalt  }
0x6d: {  	_ =	shalt  }
0x6e: {  	_ =	shalt  }
0x6f: {  	_ =	shalt  }
0x70: {  	_ =	shalt  }
0x71: {  	_ =	shalt  }
0x72: {  	_ =	shalt  }
0x73: {  	_ =	shalt  }
0x74: {  	_ =	shalt  }
0x75: {  	_ =	shalt  }
0x76: {  	_ =	shalt  }
0x77: {  	_ =	shalt  }
0x78: {  	_ =	shalt  }
0x79: {  	_ =	shalt  }
0x7a: {  	_ =	shalt  }
0x7b: {  	_ =	shalt  }
0x7c: {  	_ =	shalt  }
0x7d: {  	_ =	shalt  }
0x7e: {  	_ =	shalt  }
0x7f: {  	_ =	shalt  }
0x80: {  	_ =	shalt  }
0x81: {  	_ =	shalt  }
0x82: {  	_ =	shalt  }
0x83: {  	_ =	shalt  }
0x84: {  	_ =	shalt  }
0x85: {  	_ =	shalt  }
0x86: {  	_ =	shalt  }
0x87: {  	_ =	shalt  }
.Lfunc_end0:
.L_simem_size_0:
called_computation_lowered:
.L_overlay_start_0:
0x88: {  	s2 =	sld [smem:$0x3FD9]  }
0x89: {  	s3 =	sld [smem:$0x3FFE];
	_ =	sdelay $0x1  }
0x8a: {  	s1 =	srdreg.scid  }
0x8b: {  	s0 =	sand.u32 $0x1, s1  }
0x8c: {  	s15 =	sshll.u32 s0, $0xA;
	s2 =	sadd.s32 s3, s2  }
0x8d: {  	s2 =	sadd.s32 s2, s15  }
0x8e: {  	[smem:$0x3FC4] =	sst s2  }
0x8f: {  	_ = 	snop  }
0x90: {  	s2 =	sld [smem:$0x3FC9]  }
0x91: {  	s16 =	sld [smem:$0x3FD0]  }
0x92: {  	s4 =	sld [smem:$0x3FC8]  }
0x93: {  	s5 =	sld [smem:$0x3FC7]  }
0x94: {  	s7 =	simm.s32 $0xA;
	s8 =	simm.s32 $0x10;
	s6 =	sld [smem:$0x3FC6]  }
0x95: {  	[smem:s8], [sflag:s7] =	dma.local [hbm:s16], $0x1  }
0x96: {  	_ =	swait.eq [sflag:s7], $0x1  }
0x97: {  	[sflag:s7] =	ssyncset.done $0x0  }
0x98: {  	s17 =	sld [smem:$0x10];
	[sflag:s7] =	ssyncadd.s32 $0xFFFFFFFF  }
0x99: {  	s18 =	sld [smem:$0x11];
	(tm) =	ssettm $0x1  }
0x9a: {  	s19 =	sld [smem:$0x3FFB];
	_ =	sdelay $0x3  }
0x9b: {  	_ =	strace s19  }
0x9c: {  	s8 =	sld [smem:$0x3FFC];
	_ =	sdelay $0x3  }
0x9d: {  	_ =	strace s8  }
0x9e: {  	s8 =	sld [smem:$0x3FFD];
	_ =	sdelay $0x3  }
0x9f: {  	_ =	strace s8  }
0xa0: {  	_ =	strace $0x8FFFFFFF  }
0xa1: {  	s20 =	sld [smem:$0x3FDB];
	_ =	sdelay $0x1  }
0xa2: {  	s9 =	simm.s32 $_scs_section_size  }
0xa3: {  	s10 =	simm.s32 $_size__tile_overlayer_lowered;
	s11 =	simm.s32 $_tile_overlayer_lowered  }
0xa4: {  	s23 =	simm.s32 $0x1BFF;
	s22 =	sshll.u32 s11, $0x1;
	s8 =	sadd.s32 s9, s20  }
0xa5: {  	s12 =	simm.s32 $0x0;
	s21 =	sshll.u32 s10, $0x1;
	s10 =	sadd.s32 s22, s8  }
0xa6: {  	[timem:s12], [sflag:s23] =	dma.local [hbm:s10], s21  }
0xa7: {  	_ =	swait.ge [sflag:s23], s21  }
0xa8: {  	s9 =	ssub.s32 $0x0, s21;
	[sflag:s23] =	ssyncset.done $0x0  }
0xa9: {  	[sflag:s23] =	ssyncadd.s32 s9;
	_ =	sdelay $0x1  }
0xaa: {  	s24 =	simm.s32 $0x1B8B  }
0xab: {  	_ =	swait.ge [sflag:s24], $0x1  }
0xac: {  	[sflag:s24] =	ssyncset.done $0x0  }
0xad: {  	s25 =	simm.s32 $0x1B8E;
	[sflag:s24] =	ssyncadd.s32 $0xFFFFFFFF  }
0xae: {  	s26 =	simm.s32 $execute0_lowered;
	[smem:$0x3FD2] =	sst s25  }
0xaf: {  	s9 =	sshll.u32 s26, $0x1;
	_ =	strace $0x80000046;
	[dreg:$0x1] =	wrdreg $0xFFFFFFFF  }
0xb0: {  	s28 =	simm.s32 $_size_execute0_lowered;
	s8 =	sadd.s32 s8, s9;
	[dreg:$0x0] =	wrdreg $0x0  }
0xb1: {  	s9 =	sshll.u32 s28, $0x1;
	[dreg:$0x2] =	wrdreg s8  }
0xb2: {  	[dreg:$0x3] =	wrdreg s9  }
0xb3: {  	[dreg:$0x4] =	wrdreg $0xC0  }
0xb4: {  	_ =	task [dreg:s12], $0x5FFFF  }
0xb5: {  	[dreg:$0x1] =	wrdreg $0xFFFFFFFF  }
0xb6: {  	[dreg:$0x0] =	wrdreg $0x60  }
0xb7: {  	[dreg:$0x2] =	wrdreg s2  }
0xb8: {  	[dreg:$0x3] =	wrdreg s4  }
0xb9: {  	[dreg:$0x4] =	wrdreg s5  }
0xba: {  	[dreg:$0x5] =	wrdreg s6  }
0xbb: {  	[dreg:$0x6] =	wrdreg s17  }
0xbc: {  	[dreg:$0x7] =	wrdreg s18  }
0xbd: {  	[dreg:$0x8] =	wrdreg $0x9  }
0xbe: {  	_ =	task.clear_ibuf [dreg:s12], $0x9FFFF;
	_ =	strace $0x90000046  }
0xbf: {  	s29 =	simm.s32 $0x9;
	_ =	strace $0x80000048  }
0xc0: {  	_ =	swait.ge [sflag:s29], $0x1  }
0xc1: {  	[sflag:s29] =	ssyncadd.s32 $0xFFFFFFFF  }
0xc2: {  	_ =	strace $0x90000048  }
0xc3: {  	_ =	sfence  }
0xc4: {  	s30 =	sld [smem:$0x0];
	_ =	sdelay $0x2  }
0xc5: {  	s31 =	sshll.u32 s1, $0xD;
	s1 =	sshrl.u32 s1, $0x2  }
0xc6: {  	s3 =	sand.u32 $0x4000, s31;
	s1 =	sadd.s32 s1, s30  }
0xc7: {  	s0 =	sor.u32 s3, s0;
	s1 =	sshll.u32 s1, $0x11  }
0xc8: {  	s0 =	sor.u32 s1, s0  }
0xc9: {  	s0 =	sadd.s32 $0x8F2B, s0  }
0xca: {  	[sflag:s0] =	ssyncadd.remote.s32 $0x1  }
0xcb: {  	_ =	sfence.sel $0xFFFF  }
0xcc: {  	[dreg:$0x0] =	wrdreg $0xFFFFFFFF;
	(pc) =	sbr.abs _section_cstart, $3  }
0xcd: {  	[dreg:$0x1] =	wrdreg $0xFFFFFFFF  }
0xce: {  	_ =	task.clear_ibuf [dreg:s12], $0x2FFFF;
	_ =	strace $0x9FFFFFFF  }
0xcf: {  	(tm) =	ssettm $0x7FFFFFFF  }
tec
execute0_lowered:
.L_overlay_start_1:
0x0: {  	(tag) =	ssettag $0x1  }
0x1: {  	s0 =	rddreg [dreg:$0x0]  }
0x2: {  	s2 =	rddreg [dreg:$0x1]  }
0x3: {  	s7 =	rddreg [dreg:$0x2]  }
0x4: {  	s9 =	rddreg [dreg:$0x3]  }
0x5: {  	s6 =	rddreg [dreg:$0x4]  }
0x6: {  	s8 =	rddreg [dreg:$0x5];
	s3 =	srdreg.scid  }
0x7: {  	s1 =	rddreg [dreg:$0x6];
	s4 =	simm.s32 $0x0;
	s5 =	sand.u32 $0x1, s3  }
0x8: {  	s14 =	simm.s32 $0x0;
	s3 =	stileid.u32;
	s11 =	smul.u32 $0x27100, s5  }
0x9: {  	[smem:$0x7FF] =	sst s4;
	s10 =	ssub.s32 $0x2, s5;
	s13 =	smul.u32 $0x2710, s3  }
0xa: {  	_ =	strace $0x80000047;
	s30 =	smul.u32 $0x271000, s5;
	s12 =	sshrl.u32 s10, $0x1  }
0xb: {  	s31 =	smul.u32 $0x27100, s3;
	s10 =	ssub.s32 s10, s12;
	s11 =	sadd.s32 s13, s11  }
0xc: {  	s6 =	sadd.s32 s30, s6;
	s8 =	sadd.s32 s30, s8;
	s12 =	simm.s32 $0x80  }
0xd: {  	s13 =	simm.s32 $0x1;
	s5 =	smax.u32 s10, $0x1;
	s11 =	sshrl.u32 s11, $0x3  }
0xe: {  	s6 =	sadd.s32 s31, s6;
	s8 =	sadd.s32 s31, s8;
	s10 =	simm.s32 $0x2  }
0xf: {  	s7 =	sadd.s32 s11, s7;
	s9 =	sadd.s32 s11, s9;
	s11 =	simm.s32 $0x50  }
.LBB2_1:
0x10: {  	s15 =	sadd.s32 $0x0, s7  }
0x11: {  	[tilespmem:s4], [sflag:$0x2] =	stream.linear.gather [hbm4b:s15+s4], $0x50, $0x38;
	[tilespmem:$0x2880] =	vst v63  }
0x12: {  	_ =	swait.ge [sflag:s10], $0x50  }
0x13: {  	[sflag:s10] =	ssyncset.done $0x0  }
0x14: {  	[sflag:s10] =	ssyncadd.s32 $0xFFFFFFB0  }
0x15: {  	[tilespmem:s12], [sflag:$0x1] =	stream.indirect.gather [hbm4b:s0+s11], $0x80, s4, s11, $0xb8;
	[tilespmem:$0x2880] =	vst v63  }
0x16: {  	_ =	swait.ge [sflag:s13], $0x2800  }
0x17: {  	[sflag:s13] =	ssyncset.done $0x0  }
0x18: {  	[sflag:s13] =	ssyncadd.s32 $0xFFFFD800  }
0x19: {  	[hbm4b:s6+s4] =	stream.linear.scatter [tilespmem:s12], [sflag:$0x2], $0x2800, $0x38;
	[tilespmem:$0x2880] =	vst v63  }
0x1a: {  	s18 =	sadd.s32 $0xA, s7;
	_ =	swait.ge [sflag:s10], $0x2800  }
0x1b: {  	s16 =	simm.s32 $0x14;
	s15 =	sadd.s32 $0x500, s6;
	[sflag:s10] =	ssyncset.done $0x0  }
.LBB2_2:
0x1c: {  	s19 =	sadd.s32 s16, s7;
	s17 =	simm.s32 $0x0;
	[sflag:s10] =	ssyncadd.s32 $0xFFFFD800  }
0x1d: {  	[tilespmem:s17], [sflag:$0x2] =	stream.linear.gather [hbm4b:s18+s17], $0x50, $0x38;
	[tilespmem:$0x2880] =	vst v63  }
0x1e: {  	p0 =	sne.s32 s16, $0x4D8;
	s16 =	sadd.s32 $0xA, s16;
	_ =	swait.ge [sflag:s10], $0x50  }
0x1f: {  	s18 =	smov.u32 s19;
	[sflag:s10] =	ssyncset.done $0x0  }
0x20: {  	[sflag:s10] =	ssyncadd.s32 $0xFFFFFFB0  }
0x21: {  	[tilespmem:s12], [sflag:$0x1] =	stream.indirect.gather [hbm4b:s0+s11], $0x80, s17, s11, $0xb8;
	[tilespmem:$0x2880] =	vst v63  }
0x22: {  	_ =	swait.ge [sflag:s13], $0x2800  }
.Ltmp0:
0x23: {  	[sflag:s13] =	ssyncset.done $0x0;
	(pc) =	sbr.rel @p0 .LBB2_2-.Ltmp0, $4  }
0x24: {  	[sflag:s13] =	ssyncadd.s32 $0xFFFFD800  }
0x25: {  	[hbm4b:s15+s17] =	stream.linear.scatter [tilespmem:s12], [sflag:$0x2], $0x2800, $0x38;
	[tilespmem:$0x2880] =	vst v63  }
0x26: {  	_ =	swait.ge [sflag:s10], $0x2800  }
0x27: {  	s15 =	sadd.s32 $0x500, s15;
	[sflag:s10] =	ssyncset.done $0x0  }
0x28: {  	[sflag:s10] =	ssyncadd.s32 $0xFFFFD800  }
0x29: {  	[tilespmem:s17], [sflag:$0x2] =	stream.linear.gather [hbm4b:s18+s17], $0x50, $0x38;
	[tilespmem:$0x2880] =	vst v63  }
0x2a: {  	_ =	swait.ge [sflag:s10], $0x50  }
0x2b: {  	[sflag:s10] =	ssyncset.done $0x0  }
0x2c: {  	[sflag:s10] =	ssyncadd.s32 $0xFFFFFFB0  }
0x2d: {  	[tilespmem:s12], [sflag:$0x1] =	stream.indirect.gather [hbm4b:s0+s11], $0x80, s17, s11, $0xb8;
	[tilespmem:$0x2880] =	vst v63  }
0x2e: {  	_ =	swait.ge [sflag:s13], $0x2800  }
0x2f: {  	p1 =	por $0x1, $0x1;
	[sflag:s13] =	ssyncset.done $0x0  }
.Ltmp1:
0x30: {  	[sflag:s13] =	ssyncadd.s32 $0xFFFFD800;
	(pc) =	sbr.rel @!p1 .LBB2_8-.Ltmp1, $4  }
0x31: {  	[hbm4b:s15+s17] =	stream.linear.scatter [tilespmem:s12], [sflag:$0x2], $0x2800, $0x38;
	[tilespmem:$0x2880] =	vst v63  }
0x32: {  	_ =	swait.ge [sflag:s10], $0x2800  }
0x33: {  	p0 =	por $0x0, $0x0;
	[sflag:s10] =	ssyncset.done $0x0  }
0x34: {  	s16 =	smov.u32 s8;
	s15 =	simm.s32 $0xA;
	[sflag:s10] =	ssyncadd.s32 $0xFFFFD800  }
0x35: {  	s16 =	sadd.s32 $0x0, s9  }
0x36: {  	[tilespmem:s4], [sflag:$0x2] =	stream.linear.gather [hbm4b:s16+s4], $0x50, $0x38;
	[tilespmem:$0x2880] =	vst v63  }
0x37: {  	_ =	swait.ge [sflag:s10], $0x50  }
0x38: {  	[sflag:s10] =	ssyncset.done $0x0  }
0x39: {  	[sflag:s10] =	ssyncadd.s32 $0xFFFFFFB0  }
0x3a: {  	[tilespmem:s12], [sflag:$0x1] =	stream.indirect.gather [hbm4b:s2+s11], $0x80, s4, s11, $0xb8;
	[tilespmem:$0x2880] =	vst v63  }
0x3b: {  	p1 =	por $0x1, $0x1;
	_ =	swait.ge [sflag:s13], $0x2800  }
.Ltmp2:
0x3c: {  	[sflag:s13] =	ssyncset.done $0x0;
	(pc) =	sbr.rel @!p1 .LBB2_5-.Ltmp2, $4  }
0x3d: {  	[sflag:s13] =	ssyncadd.s32 $0xFFFFD800  }
0x3e: {  	[hbm4b:s8+s4] =	stream.linear.scatter [tilespmem:s12], [sflag:$0x2], $0x2800, $0x38;
	[tilespmem:$0x2880] =	vst v63  }
0x3f: {  	s17 =	simm.s32 $0x14;
	_ =	swait.ge [sflag:s10], $0x2800  }
0x40: {  	p0 =	por $0x1, $0x1;
	s16 =	sadd.s32 $0x500, s8;
	[sflag:s10] =	ssyncset.done $0x0  }
.LBB2_6:
0x41: {  	s18 =	sadd.s32 s15, s9  }
0x42: {  	[sflag:s10] =	ssyncadd.s32 $0xFFFFD800;
	s15 =	smov.u32 s17;
	s19 =	sadd.s32 $0xA, s17  }
0x43: {  	[tilespmem:s4], [sflag:$0x2] =	stream.linear.gather [hbm4b:s18+s4], $0x50, $0x38;
	[tilespmem:$0x2880] =	vst v63  }
0x44: {  	p1 =	sne.s32 s17, $0x4D8;
	_ =	swait.ge [sflag:s10], $0x50  }
0x45: {  	[sflag:s10] =	ssyncset.done $0x0  }
0x46: {  	[sflag:s10] =	ssyncadd.s32 $0xFFFFFFB0  }
0x47: {  	[tilespmem:s12], [sflag:$0x1] =	stream.indirect.gather [hbm4b:s2+s11], $0x80, s4, s11, $0xb8;
	[tilespmem:$0x2880] =	vst v63  }
0x48: {  	_ =	swait.ge [sflag:s13], $0x2800  }
.Ltmp3:
0x49: {  	[sflag:s13] =	ssyncset.done $0x0;
	(pc) =	sbr.rel @p1 .LBB2_6-.Ltmp3, $4  }
0x4a: {  	[sflag:s13] =	ssyncadd.s32 $0xFFFFD800  }
0x4b: {  	[hbm4b:s16+s4] =	stream.linear.scatter [tilespmem:s12], [sflag:$0x2], $0x2800, $0x38;
	[tilespmem:$0x2880] =	vst v63  }
0x4c: {  	_ =	swait.ge [sflag:s10], $0x2800  }
0x4d: {  	s17 =	smov.u32 s19;
	s16 =	sadd.s32 $0x500, s16;
	[sflag:s10] =	ssyncset.done $0x0  }
0x4e: {  	s17 =	smov.u32 s15  }
.LBB2_8:
0x4f: {  	s15 =	sadd.s32 s17, s9;
	[sflag:s10] =	ssyncadd.s32 @p0 $0xFFFFD800  }
0x50: {  	[tilespmem:s4], [sflag:$0x2] =	stream.linear.gather [hbm4b:s15+s4], $0x50, $0x38;
	[tilespmem:$0x2880] =	vst v63  }
0x51: {  	_ =	swait.ge [sflag:s10], $0x50  }
0x52: {  	[sflag:s10] =	ssyncset.done $0x0  }
0x53: {  	[sflag:s10] =	ssyncadd.s32 $0xFFFFFFB0  }
0x54: {  	[tilespmem:s12], [sflag:$0x1] =	stream.indirect.gather [hbm4b:s2+s11], $0x80, s4, s11, $0xb8;
	[tilespmem:$0x2880] =	vst v63  }
0x55: {  	_ =	swait.ge [sflag:s13], $0x2800  }
0x56: {  	s14 =	sadd.s32 $0x1, s14;
	[sflag:s13] =	ssyncset.done $0x0  }
0x57: {  	p0 =	sne.s32 s14, s5;
	[sflag:s13] =	ssyncadd.s32 $0xFFFFD800  }
0x58: {  	[hbm4b:s16+s4] =	stream.linear.scatter [tilespmem:s12], [sflag:$0x2], $0x2800, $0x38;
	[tilespmem:$0x2880] =	vst v63  }
.Ltmp4:
0x59: {  	_ = 	snop;
	(pc) =	sbr.rel @p0 .LBB2_1-.Ltmp4, $4  }
.Ltmp5:
0x5a: {  	_ = 	snop;
	(pc) =	sbr.rel @!p0 .LBB2_9-.Ltmp5, $4  }
0x5b: {  	_ =	swait.ge [sflag:s10], $0x2800  }
0x5c: {  	[sflag:s10] =	ssyncset.done $0x0  }
0x5d: {  	[sflag:s10] =	ssyncadd.s32 $0xFFFFD800  }
0x5e: {  	_ = 	snop  }
.LBB2_5:
.Ltmp6:
0x5f: {  	(pc) =	sbr.rel .LBB2_8-.Ltmp6, $2  }
0x60: {  	_ =	sdelay $0x2  }
0x61: {  	s17 =	simm.s32 $0xA  }
.LBB2_9:
0x62: {  	_ =	sfence.sel $0x180000  }
0x63: {  	[bflag:$0x0] =	sbarrier.arrive $0xFFFF  }
0x64: {  	p0 =	sne.s32 s3, $0x0;
	_ =	strace $0x90000047  }
0x65: {  	s0 =	sadd.s32 @!p0 $0x100000, s1;
	[bflag:$0x2] =	sbarrier.arrive $0xFFFF  }
0x66: {  	[sflag:s0] =	ssyncadd.tile.s32 @!p0 $0x1;
	_ =	shalt  }
.Lfunc_end2:
_tile_overlayer_lowered:
.L_overlay_start_2:
0x67: {  	(tag) =	ssettag $0x2  }
0x68: {  	s0 =	rddreg [dreg:$0x0];
	s2 =	stileid.u32  }
0x69: {  	s1 =	rddreg [dreg:$0x1];
	p0 =	sne.s32 s2, $0x0  }
0x6a: {  	s3 =	rddreg [dreg:$0x2];
	[bflag:$0x3] =	sbarrier.arrive $0xFFFF;
	s2 =	simm.s32 @!p0 $0x1C02  }
0x6b: {  	[timem:s3], [sflag:s2] =	dma.local @!p0 [hbm:s0], s1  }
0x6c: {  	s0 =	simm.s32 @!p0 $0x2  }
0x6d: {  	_ =	swait.ge @!p0 [sflag:s0], s1  }
0x6e: {  	s1 =	ssub.s32 @!p0 $0x0, s1;
	[sflag:s0] =	ssyncset.done @!p0 $0x0  }
0x6f: {  	[sflag:s0] =	ssyncadd.s32 @!p0 s1  }
0x70: {  	[bflag:$0x3] =	sbarrier.arrive $0xFFFF  }
0x71: {  	_ =	shalt  }

</sc_bundles>
